<compile_context>
chip_gen: v7x
topology: tpu7x:2x2x1
jax: 0.10.2.dev20260603
libtpu: 0.0.44.dev20260713+nightly
codegen_flags: <defaults>
</compile_context>

<pallas_src>
import functools

import jax
import jax.numpy as jnp
from jax import lax
from jax.experimental import pallas as pl
from jax.experimental.pallas import tpu as pltpu
from jax.experimental.pallas import tpu_sc as plsc

_CH = 256


def _gather_kernel(B, V, D):
    info = plsc.get_sparse_core_info()
    NC, NS, L = info.num_cores, info.num_subcores, info.num_lanes
    NW = NC * NS
    CH = _CH
    assert D == 64 and B % (8 * NW) == 0
    b_per_w = B // NW
    n_chunks = b_per_w // CH
    n_streams = CH // 128
    mesh = plsc.VectorSubcoreMesh(core_axis_name="c", subcore_axis_name="s")

    @functools.partial(
        pl.kernel,
        mesh=mesh,
        out_type=jax.ShapeDtypeStruct((B, 2 * D), jnp.float32),
        compiler_params=pltpu.CompilerParams(needs_layout_passes=False),
        scratch_types=[
            pltpu.VMEM((b_per_w // 128, 128), jnp.int32),
            pltpu.VMEM((CH, 2 * D), jnp.float32),
            pltpu.SemaphoreType.DMA,
        ],
    )
    def k(wpad_hbm, idx_hbm, out_hbm, idx_v, rows_v, sem):
        wid = lax.axis_index("s") * NC + lax.axis_index("c")
        base = wid * b_per_w
        for r in range(b_per_w // 128):
            pltpu.sync_copy(
                idx_hbm.at[pl.ds(base + r * 128, 128)], idx_v.at[r]
            )
        for ch in range(n_chunks):
            copies = [
                pltpu.make_async_copy(
                    wpad_hbm.at[idx_v.at[ch * n_streams + g]],
                    rows_v.at[pl.ds(g * 128, 128)],
                    sem,
                )
                for g in range(n_streams)
            ]
            for cp in copies:
                cp.start()
            for cp in copies:
                cp.wait()
            pltpu.sync_copy(
                rows_v, out_hbm.at[pl.ds(base + ch * CH, CH)]
            )

    return k


def kernel(x, weight):
    B = x.shape[0]
    V, D = weight.shape
    k = _gather_kernel(B, V, D)
    wpad = jnp.pad(weight, ((0, 0), (0, D)))
    out2 = k(wpad, x.astype(jnp.int32))
    return out2[:, :D]

# --- scband reference (transcript-rebuilt; emitter-appended) ---
"""Pipeline reference for scband-vocab-embedding-45183055954369 (READ-ONLY COPY).

The authoritative reference and input builder live on the scoring server;
editing this copy changes nothing except your own understanding.
"""

import jax, jax.numpy as jnp
import numpy as np

VOCAB = 1000000
EMBED_DIM = 64
BATCH = 16384

def setup_inputs(seed: int = 0) -> dict:
    key = jax.random.key(seed)
    k_idx, k_w = jax.random.split(key)
    x = jax.random.randint(k_idx, (BATCH,), 0, VOCAB, dtype=jnp.int64 if jax.config.jax_enable_x64 else jnp.int32)
    weight = jax.random.normal(k_w, (VOCAB, EMBED_DIM), dtype=jnp.float32)
    return {"x": x, "weight": weight}

def reference(x, weight):
    # VocabEmbedding.forward: weight[x, :]
    return jnp.take(weight, x, axis=0)

if __name__ == "__main__":
    import jax
    _d = setup_inputs()
    print(jax.jit(kernel)(*tuple(_d.values())))

</pallas_src>

<mosaic_0001>
#map = affine_map<(d0, d1) -> (0, 0)>
#map1 = affine_map<(d0, d1) -> (0)>
module attributes {stable_mosaic.version = 14 : i64} {
  func.func @k(%arg0: i32, %arg1: i32, %arg2: memref<1000000x128xf32, #tpu.memory_space<hbm>>, %arg3: memref<16384xi32, #tpu.memory_space<hbm>>, %arg4: memref<16384x128xf32, #tpu.memory_space<hbm>>, %arg5: memref<4x128xi32, #tpu.memory_space<vmem>>, %arg6: memref<256x128xf32, #tpu.memory_space<vmem>>, %arg7: memref<!tpu.dma_semaphore, #tpu.memory_space<semaphore_mem>>) attributes {dimension_semantics = [#tpu.dimension_semantics<core_parallel>, #tpu.dimension_semantics<subcore_parallel>], iteration_bounds = array<i64: 2, 16>, scalar_prefetch = 0 : i64, scratch_operands = 3 : i64, tpu.core_type = #tpu.core_type<sc_vector_subcore>, window_params = [{transform_indices = #map}, {transform_indices = #map1}, {transform_indices = #map}]} {
    %mul3A = arith.constant 2 : i32
    %mul3A_0 = arith.muli %arg1, %mul3A : i32
    %add3A = arith.addi %mul3A_0, %arg0 : i32
    %mul3A_1 = arith.constant 512 : i32
    %mul3A_2 = arith.muli %add3A, %mul3A_1 : i32
    %add3A_3 = arith.constant 0 : i32
    %add3A_4 = arith.addi %mul3A_2, %add3A_3 : i32
    %run_scoped3A = arith.constant 0 : i32
    "tpu.region"() ({
      %run_scoped3A_96 = tpu.sem_alloc : memref<!tpu.dma_semaphore, #tpu.memory_space<semaphore_mem>>
      %dma_start3A_97 = arith.constant 0 : i32
      %dma_start3A_98 = tpu.memref_slice %arg5[%run_scoped3A, %dma_start3A_97] : memref<4x128xi32, #tpu.memory_space<vmem>> -> memref<1x128xi32, #tpu.memory_space<vmem>>
      %dma_start3A_99 = tpu.memref_squeeze %dma_start3A_98 : memref<1x128xi32, #tpu.memory_space<vmem>> -> memref<128xi32, #tpu.memory_space<vmem>>
      %dma_start3A_100 = tpu.memref_slice %arg3[%add3A_4] : memref<16384xi32, #tpu.memory_space<hbm>> -> memref<128xi32, #tpu.memory_space<hbm>>
      %dma_start3A_101 = arith.constant 0 : i32
      %dma_start3A_102 = tpu.memref_slice %arg5[%run_scoped3A, %dma_start3A_101] : memref<4x128xi32, #tpu.memory_space<vmem>> -> memref<1x128xi32, #tpu.memory_space<vmem>>
      %dma_start3A_103 = tpu.memref_squeeze %dma_start3A_102 : memref<1x128xi32, #tpu.memory_space<vmem>> -> memref<128xi32, #tpu.memory_space<vmem>>
      %dma_start3A_104 = tpu.memref_slice %arg3[%add3A_4] : memref<16384xi32, #tpu.memory_space<hbm>> -> memref<128xi32, #tpu.memory_space<hbm>>
      tpu.enqueue_dma source(%dma_start3A_104 : memref<128xi32, #tpu.memory_space<hbm>>) target(%dma_start3A_103 : memref<128xi32, #tpu.memory_space<vmem>>) target_semaphore(%run_scoped3A_96 : memref<!tpu.dma_semaphore, #tpu.memory_space<semaphore_mem>>)
      %dma_wait3A_105 = arith.constant 0 : i32
      %dma_wait3A_106 = tpu.memref_slice %arg5[%run_scoped3A, %dma_wait3A_105] : memref<4x128xi32, #tpu.memory_space<vmem>> -> memref<1x128xi32, #tpu.memory_space<vmem>>
      %dma_wait3A_107 = tpu.memref_squeeze %dma_wait3A_106 : memref<1x128xi32, #tpu.memory_space<vmem>> -> memref<128xi32, #tpu.memory_space<vmem>>
      %dma_wait3A_108 = tpu.memref_slice %arg3[%add3A_4] : memref<16384xi32, #tpu.memory_space<hbm>> -> memref<128xi32, #tpu.memory_space<hbm>>
      %dma_wait3A_109 = arith.constant 0 : i32
      %dma_wait3A_110 = tpu.memref_slice %arg5[%run_scoped3A, %dma_wait3A_109] : memref<4x128xi32, #tpu.memory_space<vmem>> -> memref<1x128xi32, #tpu.memory_space<vmem>>
      %dma_wait3A_111 = tpu.memref_squeeze %dma_wait3A_110 : memref<1x128xi32, #tpu.memory_space<vmem>> -> memref<128xi32, #tpu.memory_space<vmem>>
      %dma_wait3A_112 = tpu.memref_slice %arg3[%add3A_4] : memref<16384xi32, #tpu.memory_space<hbm>> -> memref<128xi32, #tpu.memory_space<hbm>>
      tpu.wait_dma2 semaphore(%run_scoped3A_96 : memref<!tpu.dma_semaphore, #tpu.memory_space<semaphore_mem>>) src(%dma_wait3A_112 : memref<128xi32, #tpu.memory_space<hbm>>) dst(%dma_wait3A_111 : memref<128xi32, #tpu.memory_space<vmem>>)
      tpu.yield
    }) : () -> ()
    %add3A_5 = arith.constant 128 : i32
    %add3A_6 = arith.addi %mul3A_2, %add3A_5 : i32
    %run_scoped3A_7 = arith.constant 1 : i32
    "tpu.region"() ({
      %run_scoped3A_96 = tpu.sem_alloc : memref<!tpu.dma_semaphore, #tpu.memory_space<semaphore_mem>>
      %dma_start3A_97 = arith.constant 0 : i32
      %dma_start3A_98 = tpu.memref_slice %arg5[%run_scoped3A_7, %dma_start3A_97] : memref<4x128xi32, #tpu.memory_space<vmem>> -> memref<1x128xi32, #tpu.memory_space<vmem>>
      %dma_start3A_99 = tpu.memref_squeeze %dma_start3A_98 : memref<1x128xi32, #tpu.memory_space<vmem>> -> memref<128xi32, #tpu.memory_space<vmem>>
      %dma_start3A_100 = tpu.memref_slice %arg3[%add3A_6] : memref<16384xi32, #tpu.memory_space<hbm>> -> memref<128xi32, #tpu.memory_space<hbm>>
      %dma_start3A_101 = arith.constant 0 : i32
      %dma_start3A_102 = tpu.memref_slice %arg5[%run_scoped3A_7, %dma_start3A_101] : memref<4x128xi32, #tpu.memory_space<vmem>> -> memref<1x128xi32, #tpu.memory_space<vmem>>
      %dma_start3A_103 = tpu.memref_squeeze %dma_start3A_102 : memref<1x128xi32, #tpu.memory_space<vmem>> -> memref<128xi32, #tpu.memory_space<vmem>>
      %dma_start3A_104 = tpu.memref_slice %arg3[%add3A_6] : memref<16384xi32, #tpu.memory_space<hbm>> -> memref<128xi32, #tpu.memory_space<hbm>>
      tpu.enqueue_dma source(%dma_start3A_104 : memref<128xi32, #tpu.memory_space<hbm>>) target(%dma_start3A_103 : memref<128xi32, #tpu.memory_space<vmem>>) target_semaphore(%run_scoped3A_96 : memref<!tpu.dma_semaphore, #tpu.memory_space<semaphore_mem>>)
      %dma_wait3A_105 = arith.constant 0 : i32
      %dma_wait3A_106 = tpu.memref_slice %arg5[%run_scoped3A_7, %dma_wait3A_105] : memref<4x128xi32, #tpu.memory_space<vmem>> -> memref<1x128xi32, #tpu.memory_space<vmem>>
      %dma_wait3A_107 = tpu.memref_squeeze %dma_wait3A_106 : memref<1x128xi32, #tpu.memory_space<vmem>> -> memref<128xi32, #tpu.memory_space<vmem>>
      %dma_wait3A_108 = tpu.memref_slice %arg3[%add3A_6] : memref<16384xi32, #tpu.memory_space<hbm>> -> memref<128xi32, #tpu.memory_space<hbm>>
      %dma_wait3A_109 = arith.constant 0 : i32
      %dma_wait3A_110 = tpu.memref_slice %arg5[%run_scoped3A_7, %dma_wait3A_109] : memref<4x128xi32, #tpu.memory_space<vmem>> -> memref<1x128xi32, #tpu.memory_space<vmem>>
      %dma_wait3A_111 = tpu.memref_squeeze %dma_wait3A_110 : memref<1x128xi32, #tpu.memory_space<vmem>> -> memref<128xi32, #tpu.memory_space<vmem>>
      %dma_wait3A_112 = tpu.memref_slice %arg3[%add3A_6] : memref<16384xi32, #tpu.memory_space<hbm>> -> memref<128xi32, #tpu.memory_space<hbm>>
      tpu.wait_dma2 semaphore(%run_scoped3A_96 : memref<!tpu.dma_semaphore, #tpu.memory_space<semaphore_mem>>) src(%dma_wait3A_112 : memref<128xi32, #tpu.memory_space<hbm>>) dst(%dma_wait3A_111 : memref<128xi32, #tpu.memory_space<vmem>>)
      tpu.yield
    }) : () -> ()
    %add3A_8 = arith.constant 256 : i32
    %add3A_9 = arith.addi %mul3A_2, %add3A_8 : i32
    %run_scoped3A_10 = arith.constant 2 : i32
    "tpu.region"() ({
      %run_scoped3A_96 = tpu.sem_alloc : memref<!tpu.dma_semaphore, #tpu.memory_space<semaphore_mem>>
      %dma_start3A_97 = arith.constant 0 : i32
      %dma_start3A_98 = tpu.memref_slice %arg5[%run_scoped3A_10, %dma_start3A_97] : memref<4x128xi32, #tpu.memory_space<vmem>> -> memref<1x128xi32, #tpu.memory_space<vmem>>
      %dma_start3A_99 = tpu.memref_squeeze %dma_start3A_98 : memref<1x128xi32, #tpu.memory_space<vmem>> -> memref<128xi32, #tpu.memory_space<vmem>>
      %dma_start3A_100 = tpu.memref_slice %arg3[%add3A_9] : memref<16384xi32, #tpu.memory_space<hbm>> -> memref<128xi32, #tpu.memory_space<hbm>>
      %dma_start3A_101 = arith.constant 0 : i32
      %dma_start3A_102 = tpu.memref_slice %arg5[%run_scoped3A_10, %dma_start3A_101] : memref<4x128xi32, #tpu.memory_space<vmem>> -> memref<1x128xi32, #tpu.memory_space<vmem>>
      %dma_start3A_103 = tpu.memref_squeeze %dma_start3A_102 : memref<1x128xi32, #tpu.memory_space<vmem>> -> memref<128xi32, #tpu.memory_space<vmem>>
      %dma_start3A_104 = tpu.memref_slice %arg3[%add3A_9] : memref<16384xi32, #tpu.memory_space<hbm>> -> memref<128xi32, #tpu.memory_space<hbm>>
      tpu.enqueue_dma source(%dma_start3A_104 : memref<128xi32, #tpu.memory_space<hbm>>) target(%dma_start3A_103 : memref<128xi32, #tpu.memory_space<vmem>>) target_semaphore(%run_scoped3A_96 : memref<!tpu.dma_semaphore, #tpu.memory_space<semaphore_mem>>)
      %dma_wait3A_105 = arith.constant 0 : i32
      %dma_wait3A_106 = tpu.memref_slice %arg5[%run_scoped3A_10, %dma_wait3A_105] : memref<4x128xi32, #tpu.memory_space<vmem>> -> memref<1x128xi32, #tpu.memory_space<vmem>>
      %dma_wait3A_107 = tpu.memref_squeeze %dma_wait3A_106 : memref<1x128xi32, #tpu.memory_space<vmem>> -> memref<128xi32, #tpu.memory_space<vmem>>
      %dma_wait3A_108 = tpu.memref_slice %arg3[%add3A_9] : memref<16384xi32, #tpu.memory_space<hbm>> -> memref<128xi32, #tpu.memory_space<hbm>>
      %dma_wait3A_109 = arith.constant 0 : i32
      %dma_wait3A_110 = tpu.memref_slice %arg5[%run_scoped3A_10, %dma_wait3A_109] : memref<4x128xi32, #tpu.memory_space<vmem>> -> memref<1x128xi32, #tpu.memory_space<vmem>>
      %dma_wait3A_111 = tpu.memref_squeeze %dma_wait3A_110 : memref<1x128xi32, #tpu.memory_space<vmem>> -> memref<128xi32, #tpu.memory_space<vmem>>
      %dma_wait3A_112 = tpu.memref_slice %arg3[%add3A_9] : memref<16384xi32, #tpu.memory_space<hbm>> -> memref<128xi32, #tpu.memory_space<hbm>>
      tpu.wait_dma2 semaphore(%run_scoped3A_96 : memref<!tpu.dma_semaphore, #tpu.memory_space<semaphore_mem>>) src(%dma_wait3A_112 : memref<128xi32, #tpu.memory_space<hbm>>) dst(%dma_wait3A_111 : memref<128xi32, #tpu.memory_space<vmem>>)
      tpu.yield
    }) : () -> ()
    %add3A_11 = arith.constant 384 : i32
    %add3A_12 = arith.addi %mul3A_2, %add3A_11 : i32
    %run_scoped3A_13 = arith.constant 3 : i32
    "tpu.region"() ({
      %run_scoped3A_96 = tpu.sem_alloc : memref<!tpu.dma_semaphore, #tpu.memory_space<semaphore_mem>>
      %dma_start3A_97 = arith.constant 0 : i32
      %dma_start3A_98 = tpu.memref_slice %arg5[%run_scoped3A_13, %dma_start3A_97] : memref<4x128xi32, #tpu.memory_space<vmem>> -> memref<1x128xi32, #tpu.memory_space<vmem>>
      %dma_start3A_99 = tpu.memref_squeeze %dma_start3A_98 : memref<1x128xi32, #tpu.memory_space<vmem>> -> memref<128xi32, #tpu.memory_space<vmem>>
      %dma_start3A_100 = tpu.memref_slice %arg3[%add3A_12] : memref<16384xi32, #tpu.memory_space<hbm>> -> memref<128xi32, #tpu.memory_space<hbm>>
      %dma_start3A_101 = arith.constant 0 : i32
      %dma_start3A_102 = tpu.memref_slice %arg5[%run_scoped3A_13, %dma_start3A_101] : memref<4x128xi32, #tpu.memory_space<vmem>> -> memref<1x128xi32, #tpu.memory_space<vmem>>
      %dma_start3A_103 = tpu.memref_squeeze %dma_start3A_102 : memref<1x128xi32, #tpu.memory_space<vmem>> -> memref<128xi32, #tpu.memory_space<vmem>>
      %dma_start3A_104 = tpu.memref_slice %arg3[%add3A_12] : memref<16384xi32, #tpu.memory_space<hbm>> -> memref<128xi32, #tpu.memory_space<hbm>>
      tpu.enqueue_dma source(%dma_start3A_104 : memref<128xi32, #tpu.memory_space<hbm>>) target(%dma_start3A_103 : memref<128xi32, #tpu.memory_space<vmem>>) target_semaphore(%run_scoped3A_96 : memref<!tpu.dma_semaphore, #tpu.memory_space<semaphore_mem>>)
      %dma_wait3A_105 = arith.constant 0 : i32
      %dma_wait3A_106 = tpu.memref_slice %arg5[%run_scoped3A_13, %dma_wait3A_105] : memref<4x128xi32, #tpu.memory_space<vmem>> -> memref<1x128xi32, #tpu.memory_space<vmem>>
      %dma_wait3A_107 = tpu.memref_squeeze %dma_wait3A_106 : memref<1x128xi32, #tpu.memory_space<vmem>> -> memref<128xi32, #tpu.memory_space<vmem>>
      %dma_wait3A_108 = tpu.memref_slice %arg3[%add3A_12] : memref<16384xi32, #tpu.memory_space<hbm>> -> memref<128xi32, #tpu.memory_space<hbm>>
      %dma_wait3A_109 = arith.constant 0 : i32
      %dma_wait3A_110 = tpu.memref_slice %arg5[%run_scoped3A_13, %dma_wait3A_109] : memref<4x128xi32, #tpu.memory_space<vmem>> -> memref<1x128xi32, #tpu.memory_space<vmem>>
      %dma_wait3A_111 = tpu.memref_squeeze %dma_wait3A_110 : memref<1x128xi32, #tpu.memory_space<vmem>> -> memref<128xi32, #tpu.memory_space<vmem>>
      %dma_wait3A_112 = tpu.memref_slice %arg3[%add3A_12] : memref<16384xi32, #tpu.memory_space<hbm>> -> memref<128xi32, #tpu.memory_space<hbm>>
      tpu.wait_dma2 semaphore(%run_scoped3A_96 : memref<!tpu.dma_semaphore, #tpu.memory_space<semaphore_mem>>) src(%dma_wait3A_112 : memref<128xi32, #tpu.memory_space<hbm>>) dst(%dma_wait3A_111 : memref<128xi32, #tpu.memory_space<vmem>>)
      tpu.yield
    }) : () -> ()
    %dma_start3A = arith.constant 0 : i32
    %dma_start3A_14 = arith.constant 0 : i32
    %dma_start3A_15 = arith.constant 0 : i32
    %dma_start3A_16 = tpu.memref_slice %arg6[%dma_start3A_14, %dma_start3A_15] : memref<256x128xf32, #tpu.memory_space<vmem>> -> memref<128x128xf32, #tpu.memory_space<vmem>>
    %dma_start3A_17 = arith.constant 0 : i32
    %dma_start3A_18 = tpu.memref_slice %arg5[%dma_start3A, %dma_start3A_17] : memref<4x128xi32, #tpu.memory_space<vmem>> -> memref<1x128xi32, #tpu.memory_space<vmem>>
    %dma_start3A_19 = tpu.memref_squeeze %dma_start3A_18 : memref<1x128xi32, #tpu.memory_space<vmem>> -> memref<128xi32, #tpu.memory_space<vmem>>
    %dma_start3A_20 = arith.constant 0 : i32
    %dma_start3A_21 = arith.constant 0 : i32
    %dma_start3A_22 = tpu.memref_slice %arg2[%dma_start3A_20, %dma_start3A_21] : memref<1000000x128xf32, #tpu.memory_space<hbm>> -> memref<1000000x128xf32, #tpu.memory_space<hbm>>
    tpu.enqueue_indirect_dma source(%dma_start3A_22 : memref<1000000x128xf32, #tpu.memory_space<hbm>>) target(%dma_start3A_16 : memref<128x128xf32, #tpu.memory_space<vmem>>) offsets(%dma_start3A_19 : memref<128xi32, #tpu.memory_space<vmem>>) semaphore(%arg7 : memref<!tpu.dma_semaphore, #tpu.memory_space<semaphore_mem>>)
    %dma_start3A_23 = arith.constant 1 : i32
    %dma_start3A_24 = arith.constant 128 : i32
    %dma_start3A_25 = arith.constant 0 : i32
    %dma_start3A_26 = tpu.memref_slice %arg6[%dma_start3A_24, %dma_start3A_25] : memref<256x128xf32, #tpu.memory_space<vmem>> -> memref<128x128xf32, #tpu.memory_space<vmem>>
    %dma_start3A_27 = arith.constant 0 : i32
    %dma_start3A_28 = tpu.memref_slice %arg5[%dma_start3A_23, %dma_start3A_27] : memref<4x128xi32, #tpu.memory_space<vmem>> -> memref<1x128xi32, #tpu.memory_space<vmem>>
    %dma_start3A_29 = tpu.memref_squeeze %dma_start3A_28 : memref<1x128xi32, #tpu.memory_space<vmem>> -> memref<128xi32, #tpu.memory_space<vmem>>
    %dma_start3A_30 = arith.constant 0 : i32
    %dma_start3A_31 = arith.constant 0 : i32
    %dma_start3A_32 = tpu.memref_slice %arg2[%dma_start3A_30, %dma_start3A_31] : memref<1000000x128xf32, #tpu.memory_space<hbm>> -> memref<1000000x128xf32, #tpu.memory_space<hbm>>
    tpu.enqueue_indirect_dma source(%dma_start3A_32 : memref<1000000x128xf32, #tpu.memory_space<hbm>>) target(%dma_start3A_26 : memref<128x128xf32, #tpu.memory_space<vmem>>) offsets(%dma_start3A_29 : memref<128xi32, #tpu.memory_space<vmem>>) semaphore(%arg7 : memref<!tpu.dma_semaphore, #tpu.memory_space<semaphore_mem>>)
    %dma_wait3A = arith.constant 0 : i32
    %dma_wait3A_33 = arith.constant 0 : i32
    %dma_wait3A_34 = arith.constant 0 : i32
    %dma_wait3A_35 = tpu.memref_slice %arg6[%dma_wait3A_33, %dma_wait3A_34] : memref<256x128xf32, #tpu.memory_space<vmem>> -> memref<128x128xf32, #tpu.memory_space<vmem>>
    %dma_wait3A_36 = arith.constant 0 : i32
    %dma_wait3A_37 = tpu.memref_slice %arg5[%dma_wait3A, %dma_wait3A_36] : memref<4x128xi32, #tpu.memory_space<vmem>> -> memref<1x128xi32, #tpu.memory_space<vmem>>
    %dma_wait3A_38 = tpu.memref_squeeze %dma_wait3A_37 : memref<1x128xi32, #tpu.memory_space<vmem>> -> memref<128xi32, #tpu.memory_space<vmem>>
    %dma_wait3A_39 = arith.constant 0 : i32
    %dma_wait3A_40 = arith.constant 0 : i32
    %dma_wait3A_41 = tpu.memref_slice %arg2[%dma_wait3A_39, %dma_wait3A_40] : memref<1000000x128xf32, #tpu.memory_space<hbm>> -> memref<1000000x128xf32, #tpu.memory_space<hbm>>
    tpu.wait_indirect_dma semaphore(%arg7 : memref<!tpu.dma_semaphore, #tpu.memory_space<semaphore_mem>>) src(%dma_wait3A_41 : memref<1000000x128xf32, #tpu.memory_space<hbm>>) dst(%dma_wait3A_35 : memref<128x128xf32, #tpu.memory_space<vmem>>)
    %dma_wait3A_42 = arith.constant 1 : i32
    %dma_wait3A_43 = arith.constant 128 : i32
    %dma_wait3A_44 = arith.constant 0 : i32
    %dma_wait3A_45 = tpu.memref_slice %arg6[%dma_wait3A_43, %dma_wait3A_44] : memref<256x128xf32, #tpu.memory_space<vmem>> -> memref<128x128xf32, #tpu.memory_space<vmem>>
    %dma_wait3A_46 = arith.constant 0 : i32
    %dma_wait3A_47 = tpu.memref_slice %arg5[%dma_wait3A_42, %dma_wait3A_46] : memref<4x128xi32, #tpu.memory_space<vmem>> -> memref<1x128xi32, #tpu.memory_space<vmem>>
    %dma_wait3A_48 = tpu.memref_squeeze %dma_wait3A_47 : memref<1x128xi32, #tpu.memory_space<vmem>> -> memref<128xi32, #tpu.memory_space<vmem>>
    %dma_wait3A_49 = arith.constant 0 : i32
    %dma_wait3A_50 = arith.constant 0 : i32
    %dma_wait3A_51 = tpu.memref_slice %arg2[%dma_wait3A_49, %dma_wait3A_50] : memref<1000000x128xf32, #tpu.memory_space<hbm>> -> memref<1000000x128xf32, #tpu.memory_space<hbm>>
    tpu.wait_indirect_dma semaphore(%arg7 : memref<!tpu.dma_semaphore, #tpu.memory_space<semaphore_mem>>) src(%dma_wait3A_51 : memref<1000000x128xf32, #tpu.memory_space<hbm>>) dst(%dma_wait3A_45 : memref<128x128xf32, #tpu.memory_space<vmem>>)
    %add3A_52 = arith.constant 0 : i32
    %add3A_53 = arith.addi %mul3A_2, %add3A_52 : i32
    "tpu.region"() ({
      %run_scoped3A_96 = tpu.sem_alloc : memref<!tpu.dma_semaphore, #tpu.memory_space<semaphore_mem>>
      %dma_start3A_97 = arith.constant 0 : i32
      %dma_start3A_98 = tpu.memref_slice %arg4[%add3A_53, %dma_start3A_97] : memref<16384x128xf32, #tpu.memory_space<hbm>> -> memref<256x128xf32, #tpu.memory_space<hbm>>
      %dma_start3A_99 = arith.constant 0 : i32
      %dma_start3A_100 = tpu.memref_slice %arg4[%add3A_53, %dma_start3A_99] : memref<16384x128xf32, #tpu.memory_space<hbm>> -> memref<256x128xf32, #tpu.memory_space<hbm>>
      tpu.enqueue_dma source(%arg6 : memref<256x128xf32, #tpu.memory_space<vmem>>) target(%dma_start3A_100 : memref<256x128xf32, #tpu.memory_space<hbm>>) target_semaphore(%run_scoped3A_96 : memref<!tpu.dma_semaphore, #tpu.memory_space<semaphore_mem>>)
      %dma_wait3A_101 = arith.constant 0 : i32
      %dma_wait3A_102 = tpu.memref_slice %arg4[%add3A_53, %dma_wait3A_101] : memref<16384x128xf32, #tpu.memory_space<hbm>> -> memref<256x128xf32, #tpu.memory_space<hbm>>
      %dma_wait3A_103 = arith.constant 0 : i32
      %dma_wait3A_104 = tpu.memref_slice %arg4[%add3A_53, %dma_wait3A_103] : memref<16384x128xf32, #tpu.memory_space<hbm>> -> memref<256x128xf32, #tpu.memory_space<hbm>>
      tpu.wait_dma2 semaphore(%run_scoped3A_96 : memref<!tpu.dma_semaphore, #tpu.memory_space<semaphore_mem>>) src(%arg6 : memref<256x128xf32, #tpu.memory_space<vmem>>) dst(%dma_wait3A_104 : memref<256x128xf32, #tpu.memory_space<hbm>>)
      tpu.yield
    }) : () -> ()
    %dma_start3A_54 = arith.constant 2 : i32
    %dma_start3A_55 = arith.constant 0 : i32
    %dma_start3A_56 = arith.constant 0 : i32
    %dma_start3A_57 = tpu.memref_slice %arg6[%dma_start3A_55, %dma_start3A_56] : memref<256x128xf32, #tpu.memory_space<vmem>> -> memref<128x128xf32, #tpu.memory_space<vmem>>
    %dma_start3A_58 = arith.constant 0 : i32
    %dma_start3A_59 = tpu.memref_slice %arg5[%dma_start3A_54, %dma_start3A_58] : memref<4x128xi32, #tpu.memory_space<vmem>> -> memref<1x128xi32, #tpu.memory_space<vmem>>
    %dma_start3A_60 = tpu.memref_squeeze %dma_start3A_59 : memref<1x128xi32, #tpu.memory_space<vmem>> -> memref<128xi32, #tpu.memory_space<vmem>>
    %dma_start3A_61 = arith.constant 0 : i32
    %dma_start3A_62 = arith.constant 0 : i32
    %dma_start3A_63 = tpu.memref_slice %arg2[%dma_start3A_61, %dma_start3A_62] : memref<1000000x128xf32, #tpu.memory_space<hbm>> -> memref<1000000x128xf32, #tpu.memory_space<hbm>>
    tpu.enqueue_indirect_dma source(%dma_start3A_63 : memref<1000000x128xf32, #tpu.memory_space<hbm>>) target(%dma_start3A_57 : memref<128x128xf32, #tpu.memory_space<vmem>>) offsets(%dma_start3A_60 : memref<128xi32, #tpu.memory_space<vmem>>) semaphore(%arg7 : memref<!tpu.dma_semaphore, #tpu.memory_space<semaphore_mem>>)
    %dma_start3A_64 = arith.constant 3 : i32
    %dma_start3A_65 = arith.constant 128 : i32
    %dma_start3A_66 = arith.constant 0 : i32
    %dma_start3A_67 = tpu.memref_slice %arg6[%dma_start3A_65, %dma_start3A_66] : memref<256x128xf32, #tpu.memory_space<vmem>> -> memref<128x128xf32, #tpu.memory_space<vmem>>
    %dma_start3A_68 = arith.constant 0 : i32
    %dma_start3A_69 = tpu.memref_slice %arg5[%dma_start3A_64, %dma_start3A_68] : memref<4x128xi32, #tpu.memory_space<vmem>> -> memref<1x128xi32, #tpu.memory_space<vmem>>
    %dma_start3A_70 = tpu.memref_squeeze %dma_start3A_69 : memref<1x128xi32, #tpu.memory_space<vmem>> -> memref<128xi32, #tpu.memory_space<vmem>>
    %dma_start3A_71 = arith.constant 0 : i32
    %dma_start3A_72 = arith.constant 0 : i32
    %dma_start3A_73 = tpu.memref_slice %arg2[%dma_start3A_71, %dma_start3A_72] : memref<1000000x128xf32, #tpu.memory_space<hbm>> -> memref<1000000x128xf32, #tpu.memory_space<hbm>>
    tpu.enqueue_indirect_dma source(%dma_start3A_73 : memref<1000000x128xf32, #tpu.memory_space<hbm>>) target(%dma_start3A_67 : memref<128x128xf32, #tpu.memory_space<vmem>>) offsets(%dma_start3A_70 : memref<128xi32, #tpu.memory_space<vmem>>) semaphore(%arg7 : memref<!tpu.dma_semaphore, #tpu.memory_space<semaphore_mem>>)
    %dma_wait3A_74 = arith.constant 2 : i32
    %dma_wait3A_75 = arith.constant 0 : i32
    %dma_wait3A_76 = arith.constant 0 : i32
    %dma_wait3A_77 = tpu.memref_slice %arg6[%dma_wait3A_75, %dma_wait3A_76] : memref<256x128xf32, #tpu.memory_space<vmem>> -> memref<128x128xf32, #tpu.memory_space<vmem>>
    %dma_wait3A_78 = arith.constant 0 : i32
    %dma_wait3A_79 = tpu.memref_slice %arg5[%dma_wait3A_74, %dma_wait3A_78] : memref<4x128xi32, #tpu.memory_space<vmem>> -> memref<1x128xi32, #tpu.memory_space<vmem>>
    %dma_wait3A_80 = tpu.memref_squeeze %dma_wait3A_79 : memref<1x128xi32, #tpu.memory_space<vmem>> -> memref<128xi32, #tpu.memory_space<vmem>>
    %dma_wait3A_81 = arith.constant 0 : i32
    %dma_wait3A_82 = arith.constant 0 : i32
    %dma_wait3A_83 = tpu.memref_slice %arg2[%dma_wait3A_81, %dma_wait3A_82] : memref<1000000x128xf32, #tpu.memory_space<hbm>> -> memref<1000000x128xf32, #tpu.memory_space<hbm>>
    tpu.wait_indirect_dma semaphore(%arg7 : memref<!tpu.dma_semaphore, #tpu.memory_space<semaphore_mem>>) src(%dma_wait3A_83 : memref<1000000x128xf32, #tpu.memory_space<hbm>>) dst(%dma_wait3A_77 : memref<128x128xf32, #tpu.memory_space<vmem>>)
    %dma_wait3A_84 = arith.constant 3 : i32
    %dma_wait3A_85 = arith.constant 128 : i32
    %dma_wait3A_86 = arith.constant 0 : i32
    %dma_wait3A_87 = tpu.memref_slice %arg6[%dma_wait3A_85, %dma_wait3A_86] : memref<256x128xf32, #tpu.memory_space<vmem>> -> memref<128x128xf32, #tpu.memory_space<vmem>>
    %dma_wait3A_88 = arith.constant 0 : i32
    %dma_wait3A_89 = tpu.memref_slice %arg5[%dma_wait3A_84, %dma_wait3A_88] : memref<4x128xi32, #tpu.memory_space<vmem>> -> memref<1x128xi32, #tpu.memory_space<vmem>>
    %dma_wait3A_90 = tpu.memref_squeeze %dma_wait3A_89 : memref<1x128xi32, #tpu.memory_space<vmem>> -> memref<128xi32, #tpu.memory_space<vmem>>
    %dma_wait3A_91 = arith.constant 0 : i32
    %dma_wait3A_92 = arith.constant 0 : i32
    %dma_wait3A_93 = tpu.memref_slice %arg2[%dma_wait3A_91, %dma_wait3A_92] : memref<1000000x128xf32, #tpu.memory_space<hbm>> -> memref<1000000x128xf32, #tpu.memory_space<hbm>>
    tpu.wait_indirect_dma semaphore(%arg7 : memref<!tpu.dma_semaphore, #tpu.memory_space<semaphore_mem>>) src(%dma_wait3A_93 : memref<1000000x128xf32, #tpu.memory_space<hbm>>) dst(%dma_wait3A_87 : memref<128x128xf32, #tpu.memory_space<vmem>>)
    %add3A_94 = arith.constant 256 : i32
    %add3A_95 = arith.addi %mul3A_2, %add3A_94 : i32
    "tpu.region"() ({
      %run_scoped3A_96 = tpu.sem_alloc : memref<!tpu.dma_semaphore, #tpu.memory_space<semaphore_mem>>
      %dma_start3A_97 = arith.constant 0 : i32
      %dma_start3A_98 = tpu.memref_slice %arg4[%add3A_95, %dma_start3A_97] : memref<16384x128xf32, #tpu.memory_space<hbm>> -> memref<256x128xf32, #tpu.memory_space<hbm>>
      %dma_start3A_99 = arith.constant 0 : i32
      %dma_start3A_100 = tpu.memref_slice %arg4[%add3A_95, %dma_start3A_99] : memref<16384x128xf32, #tpu.memory_space<hbm>> -> memref<256x128xf32, #tpu.memory_space<hbm>>
      tpu.enqueue_dma source(%arg6 : memref<256x128xf32, #tpu.memory_space<vmem>>) target(%dma_start3A_100 : memref<256x128xf32, #tpu.memory_space<hbm>>) target_semaphore(%run_scoped3A_96 : memref<!tpu.dma_semaphore, #tpu.memory_space<semaphore_mem>>)
      %dma_wait3A_101 = arith.constant 0 : i32
      %dma_wait3A_102 = tpu.memref_slice %arg4[%add3A_95, %dma_wait3A_101] : memref<16384x128xf32, #tpu.memory_space<hbm>> -> memref<256x128xf32, #tpu.memory_space<hbm>>
      %dma_wait3A_103 = arith.constant 0 : i32
      %dma_wait3A_104 = tpu.memref_slice %arg4[%add3A_95, %dma_wait3A_103] : memref<16384x128xf32, #tpu.memory_space<hbm>> -> memref<256x128xf32, #tpu.memory_space<hbm>>
      tpu.wait_dma2 semaphore(%run_scoped3A_96 : memref<!tpu.dma_semaphore, #tpu.memory_space<semaphore_mem>>) src(%arg6 : memref<256x128xf32, #tpu.memory_space<vmem>>) dst(%dma_wait3A_104 : memref<256x128xf32, #tpu.memory_space<hbm>>)
      tpu.yield
    }) : () -> ()
    return
  }
}

</mosaic_0001>

<sc_bundles>
// kernel: kernel.3.cloned.1.call-start
scs
__scs_entry_jumppad:
0x0: {  	(pc) =	sbr.rel $0x88, $3  }
0x1: {  	(tag) =	ssettag $0x0;
	lr =	simm.s32 $0x1  }
0x2: {  	[smem:$0x3F9F] =	sst lr;
	_ =	strace $0xD0000000  }
0x3: {  	_ = 	snop  }
0x4: {  	_ = 	snop  }
0x5: {  	_ = 	snop  }
0x6: {  	_ = 	snop  }
0x7: {  	_ = 	snop  }
__scs_overlays_trampoline_lowered:
0x8: {  	[smem:$0x3FAE] =	sst s0  }
0x9: {  	[smem:$0x3FAF] =	sst s1  }
0xa: {  	[smem:$0x3FB0] =	sst s2  }
0xb: {  	[smem:$0x3FB1] =	sst s3  }
0xc: {  	[smem:$0x3FB2] =	sst s4  }
0xd: {  	[smem:$0x3FB3] =	sst s5  }
0xe: {  	[smem:$0x3FB4] =	sst s6  }
0xf: {  	[smem:$0x3FB5] =	sst s7  }
0x10: {  	[smem:$0x3FB6] =	sst s8  }
0x11: {  	[smem:$0x3FB7] =	sst s9;
	s0 =	simm.s32 @!p0 $0x0  }
0x12: {  	s1 =	sld [smem:$0x3F9D];
	s0 =	simm.s32 @p0 $0x1  }
0x13: {  	[smem:$0x3FB8] =	sst s0;
	s0 =	simm.s32 @!p1 $0x0  }
0x14: {  	s2 =	sld [smem:$0x3F9C];
	s0 =	simm.s32 @p1 $0x1  }
0x15: {  	[smem:$0x3FB9] =	sst s0;
	s0 =	simm.s32 @!p2 $0x0  }
0x16: {  	s3 =	sld [smem:$0x3FDB];
	s0 =	simm.s32 @p2 $0x1  }
0x17: {  	s4 =	simm.s32 $0x1BF5;
	[smem:$0x3FBB] =	sst s0  }
0x18: {  	s0 =	sld [smem:$0x3F9E];
	_ =	swait.ge [sflag:s4], $0x0  }
0x19: {  	s7 =	sld [smem:$0x3F9F]  }
0x1a: {  	s8 =	sadd.s32 $0xFFFFE003, lr  }
0x1b: {  	s9 =	sadd.s32 $0xFFFFFEF7, lr;
	s5 =	simm.s32 $0xFFFFFFFF;
	p2 =	slt.u32 s8, $0xFFFFF086  }
0x1c: {  	p1 =	slt.u32 s9, $0xF7A;
	s5 =	simm.s32 @!p2 $0x0  }
0x1d: {  	s5 =	simm.s32 @p1 $0x1;
	p0 =	seq.s32 s7, s2  }
0x1e: {  	s7 =	smul.u32 @!p0 $0xF7A, s2;
	p2 =	seq.s32 @!p0 s5, $0x0  }
0x1f: {  	s9 =	smul.u32 $0xF7A, s1;
	s8 =	simm.s32 @!p0 $0x1BF5;
	p2 =	por !p2, p0  }
0x20: {  	[sflag:s8] =	ssyncset.s32 @!p0 $0xFFFFF086;
	s6 =	sadd.s32 @!p0 s3, s7;
	s7 =	simm.s32 @!p0 $0x108  }
0x21: {  	s3 =	sadd.s32 s3, s9;
	s6 =	sadd.s32 @!p0 $0x88, s6;
	s7 =	simm.s32 @p2 $0x1082  }
0x22: {  	[simem:s7], [sflag:s8] =	dma.local @!p0 [hbm:s6], $0xF7A  }
0x23: {  	s9 =	sor.u32 $0xD0000000, s2;
	s6 =	simm.s32 $0x108;
	_ =	swait.ge @!p0 [sflag:s8], $0x0  }
0x24: {  	s3 =	sadd.s32 $0x88, s3;
	s6 =	simm.s32 @!p1 $0x1082;
	[sflag:s4] =	ssyncset.s32 $0xFFFFF086  }
0x25: {  	[simem:s6], [sflag:s4] =	dma.local [hbm:s3], $0xF7A  }
0x26: {  	[smem:$0x3F9F] =	sst s1;
	(tag) =	ssettag s2;
	_ =	strace s9  }
0x27: {  	s1 =	sld [smem:$0x3FAF]  }
0x28: {  	s2 =	sld [smem:$0x3FB0]  }
0x29: {  	s4 =	sld [smem:$0x3FB2]  }
0x2a: {  	p0 =	seq.s32 s5, $0x0;
	s5 =	sld [smem:$0x3FB3]  }
0x2b: {  	s6 =	sld [smem:$0x3FB4]  }
0x2c: {  	s7 =	sld [smem:$0x3FB5]  }
0x2d: {  	s3 =	simm.s32 $0x108;
	s8 =	sld [smem:$0x3FB6]  }
0x2e: {  	s3 =	simm.s32 @!p0 $0x1082;
	s9 =	sld [smem:$0x3FB7]  }
0x2f: {  	lr =	sadd.s32 s0, s3;
	s0 =	sld [smem:$0x3FAE]  }
0x30: {  	s3 =	sld [smem:$0x3FB1]  }
0x31: {  	[smem:$0x3FBA] =	sst s10  }
0x32: {  	s10 =	sld [smem:$0x3FB8];
	_ =	sdelay $0x3  }
0x33: {  	p0 =	seq.s32 s10, $0x1;
	s10 =	sld [smem:$0x3FBA];
	_ =	sdelay $0x3  }
0x34: {  	[smem:$0x3FBA] =	sst s10  }
0x35: {  	s10 =	sld [smem:$0x3FB9];
	_ =	sdelay $0x3  }
0x36: {  	p1 =	seq.s32 s10, $0x1;
	s10 =	sld [smem:$0x3FBA];
	_ =	sdelay $0x3  }
0x37: {  	[smem:$0x3FBA] =	sst s10  }
0x38: {  	s10 =	sld [smem:$0x3FBB]  }
0x39: {  	_ = 	snop;
	(pc) =	sbr.ind lr, $3  }
0x3a: {  	_ = 	snop  }
0x3b: {  	_ = 	snop  }
0x3c: {  	p2 =	seq.s32 s10, $0x1;
	s10 =	sld [smem:$0x3FBA]  }
0x3d: {  	_ =	shalt  }
0x3e: {  	_ =	shalt  }
0x3f: {  	_ =	shalt  }
0x40: {  	_ =	shalt  }
0x41: {  	_ =	shalt  }
0x42: {  	_ =	shalt  }
0x43: {  	_ =	shalt  }
0x44: {  	_ =	shalt  }
0x45: {  	_ =	shalt  }
0x46: {  	_ =	shalt  }
0x47: {  	_ =	shalt  }
0x48: {  	_ =	shalt  }
0x49: {  	_ =	shalt  }
0x4a: {  	_ =	shalt  }
0x4b: {  	_ =	shalt  }
0x4c: {  	_ =	shalt  }
0x4d: {  	_ =	shalt  }
0x4e: {  	_ =	shalt  }
0x4f: {  	_ =	shalt  }
0x50: {  	_ =	shalt  }
0x51: {  	_ =	shalt  }
0x52: {  	_ =	shalt  }
0x53: {  	_ =	shalt  }
0x54: {  	_ =	shalt  }
0x55: {  	_ =	shalt  }
0x56: {  	_ =	shalt  }
0x57: {  	_ =	shalt  }
0x58: {  	_ =	shalt  }
0x59: {  	_ =	shalt  }
0x5a: {  	_ =	shalt  }
0x5b: {  	_ =	shalt  }
0x5c: {  	_ =	shalt  }
0x5d: {  	_ =	shalt  }
0x5e: {  	_ =	shalt  }
0x5f: {  	_ =	shalt  }
0x60: {  	_ =	shalt  }
0x61: {  	_ =	shalt  }
0x62: {  	_ =	shalt  }
0x63: {  	_ =	shalt  }
0x64: {  	_ =	shalt  }
0x65: {  	_ =	shalt  }
0x66: {  	_ =	shalt  }
0x67: {  	_ =	shalt  }
0x68: {  	_ =	shalt  }
0x69: {  	_ =	shalt  }
0x6a: {  	_ =	shalt  }
0x6b: {  	_ =	shalt  }
0x6c: {  	_ =	shalt  }
0x6d: {  	_ =	shalt  }
0x6e: {  	_ =	shalt  }
0x6f: {  	_ =	shalt  }
0x70: {  	_ =	shalt  }
0x71: {  	_ =	shalt  }
0x72: {  	_ =	shalt  }
0x73: {  	_ =	shalt  }
0x74: {  	_ =	shalt  }
0x75: {  	_ =	shalt  }
0x76: {  	_ =	shalt  }
0x77: {  	_ =	shalt  }
0x78: {  	_ =	shalt  }
0x79: {  	_ =	shalt  }
0x7a: {  	_ =	shalt  }
0x7b: {  	_ =	shalt  }
0x7c: {  	_ =	shalt  }
0x7d: {  	_ =	shalt  }
0x7e: {  	_ =	shalt  }
0x7f: {  	_ =	shalt  }
0x80: {  	_ =	shalt  }
0x81: {  	_ =	shalt  }
0x82: {  	_ =	shalt  }
0x83: {  	_ =	shalt  }
0x84: {  	_ =	shalt  }
0x85: {  	_ =	shalt  }
0x86: {  	_ =	shalt  }
0x87: {  	_ =	shalt  }
.Lfunc_end0:
.L_simem_size_0:
called_computation_lowered:
.L_overlay_start_0:
0x88: {  	s2 =	sld [smem:$0x3FD9]  }
0x89: {  	s3 =	sld [smem:$0x3FFE];
	_ =	sdelay $0x1  }
0x8a: {  	s1 =	srdreg.scid  }
0x8b: {  	s0 =	sand.u32 $0x1, s1  }
0x8c: {  	s17 =	sshll.u32 s0, $0xA;
	s2 =	sadd.s32 s3, s2  }
0x8d: {  	s2 =	sadd.s32 s2, s17  }
0x8e: {  	[smem:$0x3FC6] =	sst s2  }
0x8f: {  	_ = 	snop  }
0x90: {  	s2 =	sld [smem:$0x3FC9];
	(tm) =	ssettm $0x1  }
0x91: {  	s18 =	sld [smem:$0x3FFB];
	_ =	sdelay $0x3  }
0x92: {  	_ =	strace s18  }
0x93: {  	s3 =	sld [smem:$0x3FFC];
	_ =	sdelay $0x3  }
0x94: {  	_ =	strace s3  }
0x95: {  	s3 =	sld [smem:$0x3FFD];
	_ =	sdelay $0x3  }
0x96: {  	_ =	strace s3  }
0x97: {  	_ =	strace $0x8FFFFFFF  }
0x98: {  	s19 =	sld [smem:$0x3FDB];
	_ =	sdelay $0x1  }
0x99: {  	s4 =	simm.s32 $_scs_section_size  }
0x9a: {  	s5 =	simm.s32 $_size__tile_overlayer_lowered;
	s6 =	simm.s32 $_tile_overlayer_lowered  }
0x9b: {  	s22 =	simm.s32 $0x1BFF;
	s21 =	sshll.u32 s6, $0x1;
	s3 =	sadd.s32 s4, s19  }
0x9c: {  	s7 =	simm.s32 $0x0;
	s20 =	sshll.u32 s5, $0x1;
	s5 =	sadd.s32 s21, s3  }
0x9d: {  	[timem:s7], [sflag:s22] =	dma.local [hbm:s5], s20  }
0x9e: {  	_ =	swait.ge [sflag:s22], s20  }
0x9f: {  	s4 =	ssub.s32 $0x0, s20;
	[sflag:s22] =	ssyncset.done $0x0  }
0xa0: {  	[sflag:s22] =	ssyncadd.s32 s4;
	_ =	sdelay $0x1  }
0xa1: {  	s23 =	simm.s32 $0x1B8B  }
0xa2: {  	_ =	swait.ge [sflag:s23], $0x1  }
0xa3: {  	[sflag:s23] =	ssyncset.done $0x0  }
0xa4: {  	s25 =	simm.s32 $0x1B8E;
	s24 =	sld [smem:$0x3FFE];
	[sflag:s23] =	ssyncadd.s32 $0xFFFFFFFF  }
0xa5: {  	s26 =	simm.s32 $execute0_lowered;
	[smem:$0x3FD2] =	sst s25  }
0xa6: {  	s5 =	sshll.u32 s26, $0x1;
	_ =	strace $0x80000046;
	[dreg:$0x1] =	wrdreg $0xFFFFFFFF  }
0xa7: {  	s28 =	simm.s32 $_size_execute0_lowered;
	s3 =	sadd.s32 s3, s5;
	[dreg:$0x0] =	wrdreg $0x0  }
0xa8: {  	s5 =	sshll.u32 s28, $0x1;
	[dreg:$0x2] =	wrdreg s3  }
0xa9: {  	[dreg:$0x3] =	wrdreg s5  }
0xaa: {  	[dreg:$0x4] =	wrdreg $0xC0  }
0xab: {  	_ =	task [dreg:s7], $0x5FFFF  }
0xac: {  	[dreg:$0x1] =	wrdreg $0xFFFFFFFF  }
0xad: {  	[dreg:$0x0] =	wrdreg $0x60  }
0xae: {  	[dreg:$0x2] =	wrdreg s24  }
0xaf: {  	[dreg:$0x3] =	wrdreg s2  }
0xb0: {  	[dreg:$0x4] =	wrdreg $0x9  }
0xb1: {  	_ =	task.clear_ibuf [dreg:s7], $0x5FFFF;
	_ =	strace $0x90000046  }
0xb2: {  	s29 =	simm.s32 $0x9;
	_ =	strace $0x80000048  }
0xb3: {  	_ =	swait.ge [sflag:s29], $0x1  }
0xb4: {  	[sflag:s29] =	ssyncadd.s32 $0xFFFFFFFF  }
0xb5: {  	_ =	strace $0x90000048  }
0xb6: {  	_ =	sfence  }
0xb7: {  	s30 =	sld [smem:$0x0];
	_ =	sdelay $0x2  }
0xb8: {  	s31 =	sshll.u32 s1, $0xD;
	s1 =	sshrl.u32 s1, $0x2  }
0xb9: {  	s3 =	sand.u32 $0x4000, s31;
	s1 =	sadd.s32 s1, s30  }
0xba: {  	s0 =	sor.u32 s3, s0;
	s1 =	sshll.u32 s1, $0x11  }
0xbb: {  	s0 =	sor.u32 s1, s0  }
0xbc: {  	s0 =	sadd.s32 $0x8F2B, s0  }
0xbd: {  	[sflag:s0] =	ssyncadd.remote.s32 $0x1  }
0xbe: {  	_ =	sfence.sel $0xFFFF  }
0xbf: {  	[dreg:$0x0] =	wrdreg $0xFFFFFFFF;
	(pc) =	sbr.abs _section_cstart, $3  }
0xc0: {  	[dreg:$0x1] =	wrdreg $0xFFFFFFFF  }
0xc1: {  	_ =	task.clear_ibuf [dreg:s7], $0x2FFFF;
	_ =	strace $0x9FFFFFFF  }
0xc2: {  	(tm) =	ssettm $0x7FFFFFFF  }
0xc3: {  	_ =	shalt  }
tec
execute0_lowered:
.L_overlay_start_1:
0x0: {  	(tag) =	ssettag $0x1  }
0x1: {  	s1 =	srdreg.scid  }
0x2: {  	s15 =	rddreg [dreg:$0x0];
	s0 =	stileid.u32;
	s16 =	sand.u32 $0x1, s1  }
0x3: {  	s7 =	rddreg [dreg:$0x1];
	s3 =	sshll.u32 s0, $0xA;
	s4 =	sshll.u32 s16, $0x9  }
0x4: {  	s2 =	simm.s32 $0x0;
	s1 =	rddreg [dreg:$0x2];
	s17 =	sor.u32 s4, s3  }
0x5: {  	[smem:$0x7FF] =	sst s2;
	s3 =	sshrl.u32 s17, $0x3  }
0x6: {  	_ =	strace $0x80000047;
	s4 =	sadd.s32 s7, s3;
	s3 =	simm.s32 $0x2  }
0x7: {  	[tilespmem:s2], [sflag:$0x2] =	stream.linear.gather [hbm4b:s4+s2], $0x80, $0x38;
	[tilespmem:$0x8200] =	vst v63  }
0x8: {  	_ =	swait.ge [sflag:s3], $0x80  }
0x9: {  	[sflag:s3] =	ssyncset.done $0x0  }
0xa: {  	s6 =	simm.s32 $0x80;
	s5 =	sadd.s32 $0x10, s4;
	[sflag:s3] =	ssyncadd.s32 $0xFFFFFF80  }
0xb: {  	[tilespmem:s6], [sflag:$0x2] =	stream.linear.gather [hbm4b:s5+s2], $0x80, $0x38;
	[tilespmem:$0x8200] =	vst v63  }
0xc: {  	s18 =	sor.u32 $0x100, s17;
	_ =	swait.ge [sflag:s3], $0x80  }
0xd: {  	s8 =	sshrl.u32 s18, $0x3;
	[sflag:s3] =	ssyncset.done $0x0  }
0xe: {  	s7 =	sadd.s32 s7, s8;
	s8 =	simm.s32 $0x100;
	[sflag:s3] =	ssyncadd.s32 $0xFFFFFF80  }
0xf: {  	[tilespmem:s8], [sflag:$0x2] =	stream.linear.gather [hbm4b:s7+s2], $0x80, $0x38;
	[tilespmem:$0x8200] =	vst v63  }
0x10: {  	_ =	swait.ge [sflag:s3], $0x80  }
0x11: {  	[sflag:s3] =	ssyncset.done $0x0  }
0x12: {  	s10 =	simm.s32 $0x180;
	s9 =	sadd.s32 $0x30, s4;
	[sflag:s3] =	ssyncadd.s32 $0xFFFFFF80  }
0x13: {  	[tilespmem:s10], [sflag:$0x2] =	stream.linear.gather [hbm4b:s9+s2], $0x80, $0x38;
	[tilespmem:$0x8200] =	vst v63  }
0x14: {  	_ =	swait.ge [sflag:s3], $0x80  }
0x15: {  	[sflag:s3] =	ssyncset.done $0x0  }
0x16: {  	s12 =	simm.s32 $0x200;
	s11 =	sadd.s32 $0xF42800, s15;
	[sflag:s3] =	ssyncadd.s32 $0xFFFFFF80  }
0x17: {  	[tilespmem:s12], [sflag:$0x1] =	stream.indirect.gather [hbm4b:s11+s6], $0x80, s2, s6, $0xb8;
	[tilespmem:$0x8200] =	vst v63  }
0x18: {  	s13 =	simm.s32 $0x4200;
	s14 =	simm.s32 $0x1  }
0x19: {  	[tilespmem:s13], [sflag:$0x1] =	stream.indirect.gather [hbm4b:s11+s6], $0x80, s6, s6, $0xb8;
	[tilespmem:$0x8200] =	vst v63  }
0x1a: {  	_ =	swait.ge [sflag:s14], $0x4000  }
0x1b: {  	[sflag:s14] =	ssyncset.done $0x0  }
0x1c: {  	[sflag:s14] =	ssyncadd.s32 $0xFFFFC000  }
0x1d: {  	_ =	swait.ge [sflag:s14], $0x4000  }
0x1e: {  	s19 =	sadd.s32 $0x400, s15;
	s29 =	sshll.u32 s17, $0x4;
	[sflag:s14] =	ssyncset.done $0x0  }
0x1f: {  	s15 =	sadd.s32 s19, s29;
	[sflag:s14] =	ssyncadd.s32 $0xFFFFC000  }
0x20: {  	[hbm4b:s15+s2] =	stream.linear.scatter [tilespmem:s12], [sflag:$0x2], $0x8000, $0x38;
	[tilespmem:$0x8200] =	vst v63  }
0x21: {  	_ =	swait.ge [sflag:s3], $0x8000  }
0x22: {  	[sflag:s3] =	ssyncset.done $0x0  }
0x23: {  	[sflag:s3] =	ssyncadd.s32 $0xFFFF8000  }
0x24: {  	[tilespmem:s12], [sflag:$0x1] =	stream.indirect.gather [hbm4b:s11+s6], $0x80, s8, s6, $0xb8;
	[tilespmem:$0x8200] =	vst v63  }
0x25: {  	s16 =	ssub.s32 $0x2, s16  }
0x26: {  	[tilespmem:s13], [sflag:$0x1] =	stream.indirect.gather [hbm4b:s11+s6], $0x80, s10, s6, $0xb8;
	[tilespmem:$0x8200] =	vst v63  }
0x27: {  	s30 =	sshrl.u32 s16, $0x1;
	_ =	swait.ge [sflag:s14], $0x4000  }
0x28: {  	s17 =	ssub.s32 s16, s30;
	[sflag:s14] =	ssyncset.done $0x0  }
0x29: {  	s17 =	smax.u32 s17, $0x1;
	[sflag:s14] =	ssyncadd.s32 $0xFFFFC000  }
0x2a: {  	p0 =	sne.s32 s17, $0x1;
	_ =	swait.ge [sflag:s14], $0x4000  }
.Ltmp0:
0x2b: {  	s31 =	sshll.u32 s18, $0x4;
	[sflag:s14] =	ssyncset.done $0x0;
	(pc) =	sbr.rel @!p0 .LBB2_2-.Ltmp0, $4  }
0x2c: {  	s16 =	sadd.s32 s19, s31;
	[sflag:s14] =	ssyncadd.s32 $0xFFFFC000  }
0x2d: {  	[hbm4b:s16+s2] =	stream.linear.scatter [tilespmem:s12], [sflag:$0x2], $0x8000, $0x38;
	[tilespmem:$0x8200] =	vst v63  }
0x2e: {  	_ =	swait.ge [sflag:s3], $0x8000  }
0x2f: {  	s17 =	sadd.s32 $0xFFFFFFFF, s17;
	[sflag:s3] =	ssyncset.done $0x0  }
.LBB2_1:
0x30: {  	p0 =	sne.s32 s17, $0x1;
	s17 =	sadd.s32 $0xFFFFFFFF, s17;
	[sflag:s3] =	ssyncadd.s32 $0xFFFF8000  }
0x31: {  	[tilespmem:s2], [sflag:$0x2] =	stream.linear.gather [hbm4b:s4+s2], $0x80, $0x38;
	[tilespmem:$0x8200] =	vst v63  }
0x32: {  	_ =	swait.ge [sflag:s3], $0x80  }
0x33: {  	[sflag:s3] =	ssyncset.done $0x0  }
0x34: {  	[sflag:s3] =	ssyncadd.s32 $0xFFFFFF80  }
0x35: {  	[tilespmem:s6], [sflag:$0x2] =	stream.linear.gather [hbm4b:s5+s2], $0x80, $0x38;
	[tilespmem:$0x8200] =	vst v63  }
0x36: {  	_ =	swait.ge [sflag:s3], $0x80  }
0x37: {  	[sflag:s3] =	ssyncset.done $0x0  }
0x38: {  	[sflag:s3] =	ssyncadd.s32 $0xFFFFFF80  }
0x39: {  	[tilespmem:s8], [sflag:$0x2] =	stream.linear.gather [hbm4b:s7+s2], $0x80, $0x38;
	[tilespmem:$0x8200] =	vst v63  }
0x3a: {  	_ =	swait.ge [sflag:s3], $0x80  }
0x3b: {  	[sflag:s3] =	ssyncset.done $0x0  }
0x3c: {  	[sflag:s3] =	ssyncadd.s32 $0xFFFFFF80  }
0x3d: {  	[tilespmem:s10], [sflag:$0x2] =	stream.linear.gather [hbm4b:s9+s2], $0x80, $0x38;
	[tilespmem:$0x8200] =	vst v63  }
0x3e: {  	_ =	swait.ge [sflag:s3], $0x80  }
0x3f: {  	[sflag:s3] =	ssyncset.done $0x0  }
0x40: {  	[sflag:s3] =	ssyncadd.s32 $0xFFFFFF80  }
0x41: {  	[tilespmem:s12], [sflag:$0x1] =	stream.indirect.gather [hbm4b:s11+s6], $0x80, s2, s6, $0xb8;
	[tilespmem:$0x8200] =	vst v63  }
0x42: {  	_ = 	snop  }
0x43: {  	[tilespmem:s13], [sflag:$0x1] =	stream.indirect.gather [hbm4b:s11+s6], $0x80, s6, s6, $0xb8;
	[tilespmem:$0x8200] =	vst v63  }
0x44: {  	_ =	swait.ge [sflag:s14], $0x4000  }
0x45: {  	[sflag:s14] =	ssyncset.done $0x0  }
0x46: {  	[sflag:s14] =	ssyncadd.s32 $0xFFFFC000  }
0x47: {  	_ =	swait.ge [sflag:s14], $0x4000  }
0x48: {  	[sflag:s14] =	ssyncset.done $0x0  }
0x49: {  	[sflag:s14] =	ssyncadd.s32 $0xFFFFC000  }
0x4a: {  	[hbm4b:s15+s2] =	stream.linear.scatter [tilespmem:s12], [sflag:$0x2], $0x8000, $0x38;
	[tilespmem:$0x8200] =	vst v63  }
0x4b: {  	_ =	swait.ge [sflag:s3], $0x8000  }
0x4c: {  	[sflag:s3] =	ssyncset.done $0x0  }
0x4d: {  	[sflag:s3] =	ssyncadd.s32 $0xFFFF8000  }
0x4e: {  	[tilespmem:s12], [sflag:$0x1] =	stream.indirect.gather [hbm4b:s11+s6], $0x80, s8, s6, $0xb8;
	[tilespmem:$0x8200] =	vst v63  }
0x4f: {  	_ = 	snop  }
0x50: {  	[tilespmem:s13], [sflag:$0x1] =	stream.indirect.gather [hbm4b:s11+s6], $0x80, s10, s6, $0xb8;
	[tilespmem:$0x8200] =	vst v63  }
0x51: {  	_ =	swait.ge [sflag:s14], $0x4000  }
0x52: {  	[sflag:s14] =	ssyncset.done $0x0  }
0x53: {  	[sflag:s14] =	ssyncadd.s32 $0xFFFFC000  }
0x54: {  	_ =	swait.ge [sflag:s14], $0x4000  }
.Ltmp1:
0x55: {  	[sflag:s14] =	ssyncset.done $0x0;
	(pc) =	sbr.rel @p0 .LBB2_1-.Ltmp1, $4  }
0x56: {  	[sflag:s14] =	ssyncadd.s32 $0xFFFFC000  }
0x57: {  	[hbm4b:s16+s2] =	stream.linear.scatter [tilespmem:s12], [sflag:$0x2], $0x8000, $0x38;
	[tilespmem:$0x8200] =	vst v63  }
0x58: {  	_ =	swait.ge [sflag:s3], $0x8000  }
0x59: {  	[sflag:s3] =	ssyncset.done $0x0  }
.LBB2_2:
0x5a: {  	[sflag:s3] =	ssyncadd.s32 $0xFFFF8000  }
0x5b: {  	_ =	sfence.sel $0x180000  }
0x5c: {  	[bflag:$0x0] =	sbarrier.arrive $0xFFFF  }
0x5d: {  	p0 =	sne.s32 s0, $0x0;
	_ =	strace $0x90000047  }
0x5e: {  	s0 =	sadd.s32 @!p0 $0x100000, s1;
	[bflag:$0x2] =	sbarrier.arrive $0xFFFF  }
0x5f: {  	[sflag:s0] =	ssyncadd.tile.s32 @!p0 $0x1;
	_ =	shalt  }
.Lfunc_end2:
_tile_overlayer_lowered:
.L_overlay_start_2:
0x60: {  	(tag) =	ssettag $0x2  }
0x61: {  	s0 =	rddreg [dreg:$0x0];
	s2 =	stileid.u32  }
0x62: {  	s1 =	rddreg [dreg:$0x1];
	p0 =	sne.s32 s2, $0x0  }
0x63: {  	s3 =	rddreg [dreg:$0x2];
	[bflag:$0x3] =	sbarrier.arrive $0xFFFF;
	s2 =	simm.s32 @!p0 $0x1C02  }
0x64: {  	[timem:s3], [sflag:s2] =	dma.local @!p0 [hbm:s0], s1  }
0x65: {  	s0 =	simm.s32 @!p0 $0x2  }
0x66: {  	_ =	swait.ge @!p0 [sflag:s0], s1  }
0x67: {  	s1 =	ssub.s32 @!p0 $0x0, s1;
	[sflag:s0] =	ssyncset.done @!p0 $0x0  }
0x68: {  	[sflag:s0] =	ssyncadd.s32 @!p0 s1  }
0x69: {  	[bflag:$0x3] =	sbarrier.arrive $0xFFFF  }
0x6a: {  	_ =	shalt  }

</sc_bundles>
